<compile_context>
chip_gen: v7x
topology: tpu7x:2x2x1
jax: 0.10.2.dev20260603
libtpu: 0.0.44.dev20260713+nightly
codegen_flags: <defaults>
</compile_context>

<pallas_src>
import functools

import jax
import jax.numpy as jnp
from jax import lax
from jax.experimental import pallas as pl
from jax.experimental.pallas import tpu as pltpu
from jax.experimental.pallas import tpu_sc as plsc

NC = 2
NS = 16
NW = NC * NS
CH = 80


def _vector_mesh():
    return plsc.VectorSubcoreMesh(core_axis_name="c", subcore_axis_name="s")


@functools.partial(jax.jit, static_argnums=(2,))
def _sc_degrees(src, dst, n_pad):
    e = src.shape[0]
    span = e // NW
    n_ch = span // CH
    zb = n_pad // NS

    ones = jnp.ones((CH,), jnp.float32)
    zeros = jnp.zeros((zb,), jnp.float32)

    @functools.partial(
        pl.kernel,
        out_type=jax.ShapeDtypeStruct((NC, 2, n_pad), jnp.float32),
        mesh=_vector_mesh(),
        scratch_types=[
            pltpu.VMEM((CH,), jnp.int32),
            pltpu.VMEM((CH,), jnp.float32),
            pltpu.VMEM_SHARED((n_pad,), jnp.float32),
            pltpu.VMEM_SHARED((n_pad,), jnp.float32),
        ],
    )
    def k(src_hbm, dst_hbm, ones_hbm, zeros_hbm, out_hbm, iv, ones_v, od_acc, id_acc):
        cid = lax.axis_index("c")
        sid = lax.axis_index("s")
        wid = cid * NS + sid
        pltpu.sync_copy(ones_hbm, ones_v)
        pltpu.sync_copy(zeros_hbm, od_acc.at[pl.ds(sid * zb, zb)])
        pltpu.sync_copy(zeros_hbm, id_acc.at[pl.ds(sid * zb, zb)])
        plsc.subcore_barrier()
        base = wid * span

        @pl.loop(0, n_ch)
        def _(kk):
            off = base + kk * CH
            pltpu.sync_copy(src_hbm.at[pl.ds(off, CH)], iv)
            pltpu.sync_copy(ones_v, od_acc.at[iv], add=True)
            pltpu.sync_copy(dst_hbm.at[pl.ds(off, CH)], iv)
            pltpu.sync_copy(ones_v, id_acc.at[iv], add=True)

        plsc.subcore_barrier()
        sl = pl.ds(sid * zb, zb)
        pltpu.sync_copy(od_acc.at[sl], out_hbm.at[cid, 0, sl])
        pltpu.sync_copy(id_acc.at[sl], out_hbm.at[cid, 1, sl])

    return k(src, dst, ones, zeros)


@functools.partial(jax.jit, static_argnums=(3,))
def _sc_aggregate(h, src, dst, n_pad):
    d = h.shape[1]
    e = src.shape[0]
    span = e // NW
    n_ch = span // CH
    zb = n_pad // NS

    zeros = jnp.zeros((zb, d), jnp.float32)

    @functools.partial(
        pl.kernel,
        out_type=jax.ShapeDtypeStruct((NC, n_pad, d), jnp.float32),
        mesh=_vector_mesh(),
        scratch_types=[
            pltpu.VMEM((span,), jnp.int32),
            pltpu.VMEM((CH,), jnp.int32),
            pltpu.VMEM((CH, d), jnp.float32),
            pltpu.VMEM_SHARED((n_pad, d), jnp.float32),
        ],
        compiler_params=pltpu.CompilerParams(use_tc_tiling_on_sc=False),
    )
    def k(h_hbm, src_hbm, dst_hbm, zeros_hbm, out_hbm, srcv, dv, rows, acc):
        cid = lax.axis_index("c")
        sid = lax.axis_index("s")
        wid = cid * NS + sid
        pltpu.sync_copy(zeros_hbm, acc.at[pl.ds(sid * zb, zb)])
        base = wid * span
        pltpu.sync_copy(src_hbm.at[pl.ds(base, span)], srcv)
        plsc.subcore_barrier()

        @pl.loop(0, n_ch)
        def _(kk):
            pltpu.sync_copy(dst_hbm.at[pl.ds(base + kk * CH, CH)], dv)
            pltpu.sync_copy(h_hbm.at[srcv.at[pl.ds(kk * CH, CH)]], rows)
            pltpu.sync_copy(rows, acc.at[dv], add=True)

        plsc.subcore_barrier()
        sl = pl.ds(sid * zb, zb)
        pltpu.sync_copy(acc.at[sl], out_hbm.at[cid, sl])

    return k(h, src, dst, zeros)


RB = 2048


def _rsqrt_deg(dp_ref, which):
    deg = dp_ref[0, which, :] + dp_ref[1, which, :]
    return lax.rsqrt(jnp.maximum(deg, 1.0))[:, None]


def _tc_prep0(deg, x):
    n_pad = x.shape[0]
    grid = n_pad // RB

    def body(dp, x_ref, o_ref):
        o_ref[...] = x_ref[...] * _rsqrt_deg(dp, 0)

    return pl.pallas_call(
        body,
        grid=(grid,),
        in_specs=[
            pl.BlockSpec((2, 2, RB), lambda i: (0, 0, i)),
            pl.BlockSpec((RB, x.shape[1]), lambda i: (i, 0)),
        ],
        out_specs=pl.BlockSpec((RB, x.shape[1]), lambda i: (i, 0)),
        out_shape=jax.ShapeDtypeStruct(x.shape, jnp.float32),
    )(deg, x)


def _tc_mid(deg, aggp, w, b, w2=None):
    n_pad, din = aggp.shape[1], aggp.shape[2]
    dout = w.shape[1] if w2 is None else w2.shape[1]
    grid = n_pad // RB

    def body(dp, a_ref, w_ref, b_ref, *rest):
        o_ref = rest[-1]
        agg = (a_ref[0] + a_ref[1]) * _rsqrt_deg(dp, 1)
        t = jnp.tanh(
            lax.dot_general(agg, w_ref[...], (((1,), (0,)), ((), ())),
                            preferred_element_type=jnp.float32)
            + b_ref[...]
        )
        t = t * _rsqrt_deg(dp, 0)
        if w2 is not None:
            t = lax.dot_general(t, rest[0][...], (((1,), (0,)), ((), ())),
                                preferred_element_type=jnp.float32)
        o_ref[...] = t

    in_specs = [
        pl.BlockSpec((2, 2, RB), lambda i: (0, 0, i)),
        pl.BlockSpec((2, RB, din), lambda i: (0, i, 0)),
        pl.BlockSpec(w.shape, lambda i: (0, 0)),
        pl.BlockSpec((1, w.shape[1]), lambda i: (0, 0)),
    ]
    args = [deg, aggp, w, b.reshape(1, -1)]
    if w2 is not None:
        in_specs.append(pl.BlockSpec(w2.shape, lambda i: (0, 0)))
        args.append(w2)

    return pl.pallas_call(
        body,
        grid=(grid,),
        in_specs=in_specs,
        out_specs=pl.BlockSpec((RB, dout), lambda i: (i, 0)),
        out_shape=jax.ShapeDtypeStruct((n_pad, dout), jnp.float32),
    )(*args)


def _softmax(z):
    m = jnp.max(z, axis=1, keepdims=True)
    e = jnp.exp(z - m)
    return e / jnp.sum(e, axis=1, keepdims=True)


def _tc_final(deg, aggp, b2, r0, rb0, r1, rb1, r2, rb2):
    n_pad, d2 = aggp.shape[1], aggp.shape[2]
    grid = n_pad // RB

    def body(dp, a_ref, b2_ref, r0_ref, rb0_ref, r1_ref, rb1_ref, r2_ref,
             rb2_ref, h_ref, r_ref):
        z = (a_ref[0] + a_ref[1]) * _rsqrt_deg(dp, 1) + b2_ref[...]
        h = _softmax(z)
        h_ref[...] = h
        dot = lambda a, w: lax.dot_general(
            a, w, (((1,), (0,)), ((), ())), preferred_element_type=jnp.float32)
        r = jnp.tanh(dot(h, r0_ref[...]) + rb0_ref[...])
        r = jnp.tanh(dot(r, r1_ref[...]) + rb1_ref[...])
        r_ref[...] = _softmax(dot(r, r2_ref[...]) + rb2_ref[...])

    full = lambda a: pl.BlockSpec(a.shape, lambda i: (0, 0))
    row = lambda a: pl.BlockSpec((1, a.shape[0]), lambda i: (0, 0))
    return pl.pallas_call(
        body,
        grid=(grid,),
        in_specs=[
            pl.BlockSpec((2, 2, RB), lambda i: (0, 0, i)),
            pl.BlockSpec((2, RB, d2), lambda i: (0, i, 0)),
            row(b2), full(r0), row(rb0), full(r1), row(rb1), full(r2), row(rb2),
        ],
        out_specs=[
            pl.BlockSpec((RB, d2), lambda i: (i, 0)),
            pl.BlockSpec((RB, r2.shape[1]), lambda i: (i, 0)),
        ],
        out_shape=[
            jax.ShapeDtypeStruct((n_pad, d2), jnp.float32),
            jax.ShapeDtypeStruct((n_pad, r2.shape[1]), jnp.float32),
        ],
    )(deg, aggp, b2.reshape(1, -1), r0, rb0.reshape(1, -1), r1,
      rb1.reshape(1, -1), r2, rb2.reshape(1, -1))


def kernel(edge_index, in_feat, W0, b0, W1, b1, W2, b2, R0, rb0, R1, rb1, R2, rb2):
    n = in_feat.shape[0]
    n_pad = ((n + RB - 1) // RB) * RB
    src = edge_index[0]
    dst = edge_index[1]

    x = jnp.zeros((n_pad, in_feat.shape[1]), jnp.float32).at[:n].set(in_feat)

    deg = _sc_degrees(src, dst, n_pad)
    h0 = _tc_prep0(deg, x)
    agg0 = _sc_aggregate(h0, src, dst, n_pad)
    h1 = _tc_mid(deg, agg0, W0, b0)
    agg1 = _sc_aggregate(h1, src, dst, n_pad)
    h2 = _tc_mid(deg, agg1, W1, b1, w2=W2)
    agg2 = _sc_aggregate(h2, src, dst, n_pad)
    h, r = _tc_final(deg, agg2, b2, R0, rb0, R1, rb1, R2, rb2)
    return (h[:n], r[:n])

# --- scband reference (transcript-rebuilt; emitter-appended) ---
"""Pipeline reference for scband-predictor-neural-net-62380105007155 (READ-ONLY COPY).

The authoritative reference and input builder live on the scoring server;
editing this copy changes nothing except your own understanding.
"""

import jax, jax.numpy as jnp
import numpy as np

N = 10000
E = 320000
D = 128


def _init_w(key, shape):
    fan_in, fan_out = shape[0], shape[1]
    limit = (6.0 / (fan_in + fan_out)) ** 0.5
    return jax.random.uniform(key, shape, jnp.float32, -limit, limit)


def setup_inputs(seed: int = 0):
    key = jax.random.key(seed)
    ks = jax.random.split(key, 16)
    edge_index = jax.random.randint(ks[0], (2, E), 0, N, dtype=jnp.int32)
    in_feat = jax.random.normal(ks[1], (N, D), dtype=jnp.float32)
    # GraphConv weights (in, out) with xavier-uniform init, zero bias
    W0 = _init_w(ks[2], (128, 128)); b0 = jnp.zeros((128,), jnp.float32)
    W1 = _init_w(ks[3], (128, 128)); b1 = jnp.zeros((128,), jnp.float32)
    W2 = _init_w(ks[4], (128, 64));  b2 = jnp.zeros((64,), jnp.float32)
    # Regressor linear layers stored as (in, out) for x @ W + b
    R0 = _init_w(ks[5], (64, 128));  rb0 = jnp.zeros((128,), jnp.float32)
    R1 = _init_w(ks[6], (128, 64));  rb1 = jnp.zeros((64,), jnp.float32)
    R2 = _init_w(ks[7], (64, 128));  rb2 = jnp.zeros((128,), jnp.float32)
    return {"edge_index": edge_index, "in_feat": in_feat,
            "W0": W0, "b0": b0, "W1": W1, "b1": b1, "W2": W2, "b2": b2,
            "R0": R0, "rb0": rb0, "R1": R1, "rb1": rb1, "R2": R2, "rb2": rb2}


def _graph_conv(x, src, dst, W, b):
    # DGL GraphConv, norm='both', allow_zero_in_degree=True
    out_deg = jnp.clip(jnp.bincount(src, length=N), 1, None).astype(x.dtype)
    in_deg = jnp.clip(jnp.bincount(dst, length=N), 1, None).astype(x.dtype)
    h = x * (out_deg ** -0.5)[:, None]
    agg = jax.ops.segment_sum(h[src], dst, num_segments=N)
    agg = agg * (in_deg ** -0.5)[:, None]
    return agg @ W + b


def reference(edge_index, in_feat, W0, b0, W1, b1, W2, b2, R0, rb0, R1, rb1, R2, rb2):
    src = edge_index[0]
    dst = edge_index[1]
    h = jnp.tanh(_graph_conv(in_feat, src, dst, W0, b0))
    h = jnp.tanh(_graph_conv(h, src, dst, W1, b1))
    h = jax.nn.softmax(_graph_conv(h, src, dst, W2, b2), axis=1)
    r = jnp.tanh(h @ R0 + rb0)
    r = jnp.tanh(r @ R1 + rb1)
    r = jax.nn.softmax(r @ R2 + rb2, axis=1)
    return (h, r)

if __name__ == "__main__":
    import jax
    _d = setup_inputs()
    print(jax.jit(kernel)(*tuple(_d.values())))

</pallas_src>

<mosaic_0001>
#map = affine_map<(d0, d1) -> (0)>
#map1 = affine_map<(d0, d1) -> (0, 0, 0)>
module attributes {stable_mosaic.version = 14 : i64} {
  func.func @k(%arg0: i32, %arg1: i32, %arg2: memref<320000xi32, #tpu.memory_space<hbm>>, %arg3: memref<320000xi32, #tpu.memory_space<hbm>>, %arg4: memref<80xf32, #tpu.memory_space<hbm>>, %arg5: memref<640xf32, #tpu.memory_space<hbm>>, %arg6: memref<2x2x10240xf32, #tpu.memory_space<hbm>>, %arg7: memref<80xi32, #tpu.memory_space<vmem>>, %arg8: memref<80xf32, #tpu.memory_space<vmem>>, %arg9: memref<10240xf32, #tpu.memory_space<vmem_shared>>, %arg10: memref<10240xf32, #tpu.memory_space<vmem_shared>>) attributes {dimension_semantics = [#tpu.dimension_semantics<core_parallel>, #tpu.dimension_semantics<subcore_parallel>], iteration_bounds = array<i64: 2, 16>, scalar_prefetch = 0 : i64, scratch_operands = 4 : i64, tpu.core_type = #tpu.core_type<sc_vector_subcore>, window_params = [{transform_indices = #map}, {transform_indices = #map}, {transform_indices = #map}, {transform_indices = #map}, {transform_indices = #map1}]} {
    %mul3A = arith.constant 16 : i32
    %mul3A_0 = arith.muli %arg0, %mul3A : i32
    %add3A = arith.addi %mul3A_0, %arg1 : i32
    "tpu.region"() ({
      %run_scoped3A_15 = tpu.sem_alloc : memref<!tpu.dma_semaphore, #tpu.memory_space<semaphore_mem>>
      tpu.enqueue_dma source(%arg4 : memref<80xf32, #tpu.memory_space<hbm>>) target(%arg8 : memref<80xf32, #tpu.memory_space<vmem>>) target_semaphore(%run_scoped3A_15 : memref<!tpu.dma_semaphore, #tpu.memory_space<semaphore_mem>>)
      tpu.wait_dma2 semaphore(%run_scoped3A_15 : memref<!tpu.dma_semaphore, #tpu.memory_space<semaphore_mem>>) src(%arg4 : memref<80xf32, #tpu.memory_space<hbm>>) dst(%arg8 : memref<80xf32, #tpu.memory_space<vmem>>)
      tpu.yield
    }) : () -> ()
    %mul3A_1 = arith.constant 640 : i32
    %mul3A_2 = arith.muli %arg1, %mul3A_1 : i32
    "tpu.region"() ({
      %run_scoped3A_15 = tpu.sem_alloc : memref<!tpu.dma_semaphore, #tpu.memory_space<semaphore_mem>>
      %dma_start3A = tpu.memref_slice %arg9[%mul3A_2] : memref<10240xf32, #tpu.memory_space<vmem_shared>> -> memref<640xf32, #tpu.memory_space<vmem_shared>>
      tpu.enqueue_dma source(%arg5 : memref<640xf32, #tpu.memory_space<hbm>>) target(%dma_start3A : memref<640xf32, #tpu.memory_space<vmem_shared>>) target_semaphore(%run_scoped3A_15 : memref<!tpu.dma_semaphore, #tpu.memory_space<semaphore_mem>>)
      %dma_wait3A = tpu.memref_slice %arg9[%mul3A_2] : memref<10240xf32, #tpu.memory_space<vmem_shared>> -> memref<640xf32, #tpu.memory_space<vmem_shared>>
      tpu.wait_dma2 semaphore(%run_scoped3A_15 : memref<!tpu.dma_semaphore, #tpu.memory_space<semaphore_mem>>) src(%arg5 : memref<640xf32, #tpu.memory_space<hbm>>) dst(%dma_wait3A : memref<640xf32, #tpu.memory_space<vmem_shared>>)
      tpu.yield
    }) : () -> ()
    %mul3A_3 = arith.constant 640 : i32
    %mul3A_4 = arith.muli %arg1, %mul3A_3 : i32
    "tpu.region"() ({
      %run_scoped3A_15 = tpu.sem_alloc : memref<!tpu.dma_semaphore, #tpu.memory_space<semaphore_mem>>
      %dma_start3A = tpu.memref_slice %arg10[%mul3A_4] : memref<10240xf32, #tpu.memory_space<vmem_shared>> -> memref<640xf32, #tpu.memory_space<vmem_shared>>
      tpu.enqueue_dma source(%arg5 : memref<640xf32, #tpu.memory_space<hbm>>) target(%dma_start3A : memref<640xf32, #tpu.memory_space<vmem_shared>>) target_semaphore(%run_scoped3A_15 : memref<!tpu.dma_semaphore, #tpu.memory_space<semaphore_mem>>)
      %dma_wait3A = tpu.memref_slice %arg10[%mul3A_4] : memref<10240xf32, #tpu.memory_space<vmem_shared>> -> memref<640xf32, #tpu.memory_space<vmem_shared>>
      tpu.wait_dma2 semaphore(%run_scoped3A_15 : memref<!tpu.dma_semaphore, #tpu.memory_space<semaphore_mem>>) src(%arg5 : memref<640xf32, #tpu.memory_space<hbm>>) dst(%dma_wait3A : memref<640xf32, #tpu.memory_space<vmem_shared>>)
      tpu.yield
    }) : () -> ()
    %barrier3A = arith.constant 0 : index
    tpu.barrier barrier_id(%barrier3A)
    %mul3A_5 = arith.constant 10000 : i32
    %mul3A_6 = arith.muli %add3A, %mul3A_5 : i32
    %scan3A = arith.constant 0 : i32
    %scan3A_7 = arith.constant 125 : i32
    %scan3A_8 = arith.addi %scan3A, %scan3A_7 : i32
    %scan3A_9 = arith.constant 1 : i32
    scf.for %scan3A_15 = %scan3A to %scan3A_8 step %scan3A_9  : i32 {
      %mul3A_16 = arith.constant 1 : i32
      %mul3A_17 = arith.muli %scan3A_15, %mul3A_16 : i32
      %add3A_18 = arith.constant 0 : i32
      %add3A_19 = arith.addi %add3A_18, %mul3A_17 : i32
      %mul3A_20 = arith.constant 80 : i32
      %mul3A_21 = arith.muli %add3A_19, %mul3A_20 : i32
      %add3A_22 = arith.addi %mul3A_6, %mul3A_21 : i32
      "tpu.region"() ({
        %run_scoped3A_23 = tpu.sem_alloc : memref<!tpu.dma_semaphore, #tpu.memory_space<semaphore_mem>>
        %dma_start3A = tpu.memref_slice %arg2[%add3A_22] : memref<320000xi32, #tpu.memory_space<hbm>> -> memref<80xi32, #tpu.memory_space<hbm>>
        %dma_start3A_24 = tpu.memref_slice %arg2[%add3A_22] : memref<320000xi32, #tpu.memory_space<hbm>> -> memref<80xi32, #tpu.memory_space<hbm>>
        tpu.enqueue_dma source(%dma_start3A_24 : memref<80xi32, #tpu.memory_space<hbm>>) target(%arg7 : memref<80xi32, #tpu.memory_space<vmem>>) target_semaphore(%run_scoped3A_23 : memref<!tpu.dma_semaphore, #tpu.memory_space<semaphore_mem>>)
        %dma_wait3A = tpu.memref_slice %arg2[%add3A_22] : memref<320000xi32, #tpu.memory_space<hbm>> -> memref<80xi32, #tpu.memory_space<hbm>>
        %dma_wait3A_25 = tpu.memref_slice %arg2[%add3A_22] : memref<320000xi32, #tpu.memory_space<hbm>> -> memref<80xi32, #tpu.memory_space<hbm>>
        tpu.wait_dma2 semaphore(%run_scoped3A_23 : memref<!tpu.dma_semaphore, #tpu.memory_space<semaphore_mem>>) src(%dma_wait3A_25 : memref<80xi32, #tpu.memory_space<hbm>>) dst(%arg7 : memref<80xi32, #tpu.memory_space<vmem>>)
        tpu.yield
      }) : () -> ()
      "tpu.region"() ({
        %run_scoped3A_23 = tpu.sem_alloc : memref<!tpu.dma_semaphore, #tpu.memory_space<semaphore_mem>>
        %dma_start3A = arith.constant 0 : i32
        %dma_start3A_24 = tpu.memref_slice %arg9[%dma_start3A] : memref<10240xf32, #tpu.memory_space<vmem_shared>> -> memref<10240xf32, #tpu.memory_space<vmem_shared>>
        tpu.enqueue_indirect_dma source(%arg8 : memref<80xf32, #tpu.memory_space<vmem>>) target(%dma_start3A_24 : memref<10240xf32, #tpu.memory_space<vmem_shared>>) offsets(%arg7 : memref<80xi32, #tpu.memory_space<vmem>>) semaphore(%run_scoped3A_23 : memref<!tpu.dma_semaphore, #tpu.memory_space<semaphore_mem>>) {add = true}
        %dma_wait3A = arith.constant 0 : i32
        %dma_wait3A_25 = tpu.memref_slice %arg9[%dma_wait3A] : memref<10240xf32, #tpu.memory_space<vmem_shared>> -> memref<10240xf32, #tpu.memory_space<vmem_shared>>
        tpu.wait_indirect_dma semaphore(%run_scoped3A_23 : memref<!tpu.dma_semaphore, #tpu.memory_space<semaphore_mem>>) src(%arg8 : memref<80xf32, #tpu.memory_space<vmem>>) dst(%dma_wait3A_25 : memref<10240xf32, #tpu.memory_space<vmem_shared>>)
        tpu.yield
      }) : () -> ()
      "tpu.region"() ({
        %run_scoped3A_23 = tpu.sem_alloc : memref<!tpu.dma_semaphore, #tpu.memory_space<semaphore_mem>>
        %dma_start3A = tpu.memref_slice %arg3[%add3A_22] : memref<320000xi32, #tpu.memory_space<hbm>> -> memref<80xi32, #tpu.memory_space<hbm>>
        %dma_start3A_24 = tpu.memref_slice %arg3[%add3A_22] : memref<320000xi32, #tpu.memory_space<hbm>> -> memref<80xi32, #tpu.memory_space<hbm>>
        tpu.enqueue_dma source(%dma_start3A_24 : memref<80xi32, #tpu.memory_space<hbm>>) target(%arg7 : memref<80xi32, #tpu.memory_space<vmem>>) target_semaphore(%run_scoped3A_23 : memref<!tpu.dma_semaphore, #tpu.memory_space<semaphore_mem>>)
        %dma_wait3A = tpu.memref_slice %arg3[%add3A_22] : memref<320000xi32, #tpu.memory_space<hbm>> -> memref<80xi32, #tpu.memory_space<hbm>>
        %dma_wait3A_25 = tpu.memref_slice %arg3[%add3A_22] : memref<320000xi32, #tpu.memory_space<hbm>> -> memref<80xi32, #tpu.memory_space<hbm>>
        tpu.wait_dma2 semaphore(%run_scoped3A_23 : memref<!tpu.dma_semaphore, #tpu.memory_space<semaphore_mem>>) src(%dma_wait3A_25 : memref<80xi32, #tpu.memory_space<hbm>>) dst(%arg7 : memref<80xi32, #tpu.memory_space<vmem>>)
        tpu.yield
      }) : () -> ()
      "tpu.region"() ({
        %run_scoped3A_23 = tpu.sem_alloc : memref<!tpu.dma_semaphore, #tpu.memory_space<semaphore_mem>>
        %dma_start3A = arith.constant 0 : i32
        %dma_start3A_24 = tpu.memref_slice %arg10[%dma_start3A] : memref<10240xf32, #tpu.memory_space<vmem_shared>> -> memref<10240xf32, #tpu.memory_space<vmem_shared>>
        tpu.enqueue_indirect_dma source(%arg8 : memref<80xf32, #tpu.memory_space<vmem>>) target(%dma_start3A_24 : memref<10240xf32, #tpu.memory_space<vmem_shared>>) offsets(%arg7 : memref<80xi32, #tpu.memory_space<vmem>>) semaphore(%run_scoped3A_23 : memref<!tpu.dma_semaphore, #tpu.memory_space<semaphore_mem>>) {add = true}
        %dma_wait3A = arith.constant 0 : i32
        %dma_wait3A_25 = tpu.memref_slice %arg10[%dma_wait3A] : memref<10240xf32, #tpu.memory_space<vmem_shared>> -> memref<10240xf32, #tpu.memory_space<vmem_shared>>
        tpu.wait_indirect_dma semaphore(%run_scoped3A_23 : memref<!tpu.dma_semaphore, #tpu.memory_space<semaphore_mem>>) src(%arg8 : memref<80xf32, #tpu.memory_space<vmem>>) dst(%dma_wait3A_25 : memref<10240xf32, #tpu.memory_space<vmem_shared>>)
        tpu.yield
      }) : () -> ()
    }
    %scan3A_10 = arith.constant 125 : i32
    %barrier3A_11 = arith.constant 0 : index
    tpu.barrier barrier_id(%barrier3A_11)
    %mul3A_12 = arith.constant 640 : i32
    %mul3A_13 = arith.muli %arg1, %mul3A_12 : i32
    %run_scoped3A = arith.constant 0 : i32
    "tpu.region"() ({
      %run_scoped3A_15 = tpu.sem_alloc : memref<!tpu.dma_semaphore, #tpu.memory_space<semaphore_mem>>
      %dma_start3A = tpu.memref_slice %arg6[%arg0, %run_scoped3A, %mul3A_13] : memref<2x2x10240xf32, #tpu.memory_space<hbm>> -> memref<1x1x640xf32, #tpu.memory_space<hbm>>
      %dma_start3A_16 = tpu.memref_squeeze %dma_start3A : memref<1x1x640xf32, #tpu.memory_space<hbm>> -> memref<640xf32, #tpu.memory_space<hbm>>
      %dma_start3A_17 = tpu.memref_slice %arg9[%mul3A_13] : memref<10240xf32, #tpu.memory_space<vmem_shared>> -> memref<640xf32, #tpu.memory_space<vmem_shared>>
      tpu.enqueue_dma source(%dma_start3A_17 : memref<640xf32, #tpu.memory_space<vmem_shared>>) target(%dma_start3A_16 : memref<640xf32, #tpu.memory_space<hbm>>) target_semaphore(%run_scoped3A_15 : memref<!tpu.dma_semaphore, #tpu.memory_space<semaphore_mem>>)
      %dma_wait3A = tpu.memref_slice %arg6[%arg0, %run_scoped3A, %mul3A_13] : memref<2x2x10240xf32, #tpu.memory_space<hbm>> -> memref<1x1x640xf32, #tpu.memory_space<hbm>>
      %dma_wait3A_18 = tpu.memref_squeeze %dma_wait3A : memref<1x1x640xf32, #tpu.memory_space<hbm>> -> memref<640xf32, #tpu.memory_space<hbm>>
      %dma_wait3A_19 = tpu.memref_slice %arg9[%mul3A_13] : memref<10240xf32, #tpu.memory_space<vmem_shared>> -> memref<640xf32, #tpu.memory_space<vmem_shared>>
      tpu.wait_dma2 semaphore(%run_scoped3A_15 : memref<!tpu.dma_semaphore, #tpu.memory_space<semaphore_mem>>) src(%dma_wait3A_19 : memref<640xf32, #tpu.memory_space<vmem_shared>>) dst(%dma_wait3A_18 : memref<640xf32, #tpu.memory_space<hbm>>)
      tpu.yield
    }) : () -> ()
    %run_scoped3A_14 = arith.constant 1 : i32
    "tpu.region"() ({
      %run_scoped3A_15 = tpu.sem_alloc : memref<!tpu.dma_semaphore, #tpu.memory_space<semaphore_mem>>
      %dma_start3A = tpu.memref_slice %arg6[%arg0, %run_scoped3A_14, %mul3A_13] : memref<2x2x10240xf32, #tpu.memory_space<hbm>> -> memref<1x1x640xf32, #tpu.memory_space<hbm>>
      %dma_start3A_16 = tpu.memref_squeeze %dma_start3A : memref<1x1x640xf32, #tpu.memory_space<hbm>> -> memref<640xf32, #tpu.memory_space<hbm>>
      %dma_start3A_17 = tpu.memref_slice %arg10[%mul3A_13] : memref<10240xf32, #tpu.memory_space<vmem_shared>> -> memref<640xf32, #tpu.memory_space<vmem_shared>>
      tpu.enqueue_dma source(%dma_start3A_17 : memref<640xf32, #tpu.memory_space<vmem_shared>>) target(%dma_start3A_16 : memref<640xf32, #tpu.memory_space<hbm>>) target_semaphore(%run_scoped3A_15 : memref<!tpu.dma_semaphore, #tpu.memory_space<semaphore_mem>>)
      %dma_wait3A = tpu.memref_slice %arg6[%arg0, %run_scoped3A_14, %mul3A_13] : memref<2x2x10240xf32, #tpu.memory_space<hbm>> -> memref<1x1x640xf32, #tpu.memory_space<hbm>>
      %dma_wait3A_18 = tpu.memref_squeeze %dma_wait3A : memref<1x1x640xf32, #tpu.memory_space<hbm>> -> memref<640xf32, #tpu.memory_space<hbm>>
      %dma_wait3A_19 = tpu.memref_slice %arg10[%mul3A_13] : memref<10240xf32, #tpu.memory_space<vmem_shared>> -> memref<640xf32, #tpu.memory_space<vmem_shared>>
      tpu.wait_dma2 semaphore(%run_scoped3A_15 : memref<!tpu.dma_semaphore, #tpu.memory_space<semaphore_mem>>) src(%dma_wait3A_19 : memref<640xf32, #tpu.memory_space<vmem_shared>>) dst(%dma_wait3A_18 : memref<640xf32, #tpu.memory_space<hbm>>)
      tpu.yield
    }) : () -> ()
    return
  }
}

</mosaic_0001>

<sc_bundles>
// kernel: _sc_degrees.3.cloned.1.call-start
scs
__scs_entry_jumppad:
0x0: {  	(pc) =	sbr.rel $0x88, $3  }
0x1: {  	(tag) =	ssettag $0x0;
	lr =	simm.s32 $0x1  }
0x2: {  	[smem:$0x3F9F] =	sst lr;
	_ =	strace $0xD0000000  }
0x3: {  	_ = 	snop  }
0x4: {  	_ = 	snop  }
0x5: {  	_ = 	snop  }
0x6: {  	_ = 	snop  }
0x7: {  	_ = 	snop  }
__scs_overlays_trampoline_lowered:
0x8: {  	[smem:$0x3FAE] =	sst s0  }
0x9: {  	[smem:$0x3FAF] =	sst s1  }
0xa: {  	[smem:$0x3FB0] =	sst s2  }
0xb: {  	[smem:$0x3FB1] =	sst s3  }
0xc: {  	[smem:$0x3FB2] =	sst s4  }
0xd: {  	[smem:$0x3FB3] =	sst s5  }
0xe: {  	[smem:$0x3FB4] =	sst s6  }
0xf: {  	[smem:$0x3FB5] =	sst s7  }
0x10: {  	[smem:$0x3FB6] =	sst s8  }
0x11: {  	[smem:$0x3FB7] =	sst s9;
	s0 =	simm.s32 @!p0 $0x0  }
0x12: {  	s1 =	sld [smem:$0x3F9D];
	s0 =	simm.s32 @p0 $0x1  }
0x13: {  	[smem:$0x3FB8] =	sst s0;
	s0 =	simm.s32 @!p1 $0x0  }
0x14: {  	s2 =	sld [smem:$0x3F9C];
	s0 =	simm.s32 @p1 $0x1  }
0x15: {  	[smem:$0x3FB9] =	sst s0;
	s0 =	simm.s32 @!p2 $0x0  }
0x16: {  	s3 =	sld [smem:$0x3FDB];
	s0 =	simm.s32 @p2 $0x1  }
0x17: {  	s4 =	simm.s32 $0x1BF5;
	[smem:$0x3FBB] =	sst s0  }
0x18: {  	s0 =	sld [smem:$0x3F9E];
	_ =	swait.ge [sflag:s4], $0x0  }
0x19: {  	s7 =	sld [smem:$0x3F9F]  }
0x1a: {  	s8 =	sadd.s32 $0xFFFFE003, lr  }
0x1b: {  	s9 =	sadd.s32 $0xFFFFFEF7, lr;
	s5 =	simm.s32 $0xFFFFFFFF;
	p2 =	slt.u32 s8, $0xFFFFF086  }
0x1c: {  	p1 =	slt.u32 s9, $0xF7A;
	s5 =	simm.s32 @!p2 $0x0  }
0x1d: {  	s5 =	simm.s32 @p1 $0x1;
	p0 =	seq.s32 s7, s2  }
0x1e: {  	s7 =	smul.u32 @!p0 $0xF7A, s2;
	p2 =	seq.s32 @!p0 s5, $0x0  }
0x1f: {  	s9 =	smul.u32 $0xF7A, s1;
	s8 =	simm.s32 @!p0 $0x1BF5;
	p2 =	por !p2, p0  }
0x20: {  	[sflag:s8] =	ssyncset.s32 @!p0 $0xFFFFF086;
	s6 =	sadd.s32 @!p0 s3, s7;
	s7 =	simm.s32 @!p0 $0x108  }
0x21: {  	s3 =	sadd.s32 s3, s9;
	s6 =	sadd.s32 @!p0 $0x88, s6;
	s7 =	simm.s32 @p2 $0x1082  }
0x22: {  	[simem:s7], [sflag:s8] =	dma.local @!p0 [hbm:s6], $0xF7A  }
0x23: {  	s9 =	sor.u32 $0xD0000000, s2;
	s6 =	simm.s32 $0x108;
	_ =	swait.ge @!p0 [sflag:s8], $0x0  }
0x24: {  	s3 =	sadd.s32 $0x88, s3;
	s6 =	simm.s32 @!p1 $0x1082;
	[sflag:s4] =	ssyncset.s32 $0xFFFFF086  }
0x25: {  	[simem:s6], [sflag:s4] =	dma.local [hbm:s3], $0xF7A  }
0x26: {  	[smem:$0x3F9F] =	sst s1;
	(tag) =	ssettag s2;
	_ =	strace s9  }
0x27: {  	s1 =	sld [smem:$0x3FAF]  }
0x28: {  	s2 =	sld [smem:$0x3FB0]  }
0x29: {  	s4 =	sld [smem:$0x3FB2]  }
0x2a: {  	p0 =	seq.s32 s5, $0x0;
	s5 =	sld [smem:$0x3FB3]  }
0x2b: {  	s6 =	sld [smem:$0x3FB4]  }
0x2c: {  	s7 =	sld [smem:$0x3FB5]  }
0x2d: {  	s3 =	simm.s32 $0x108;
	s8 =	sld [smem:$0x3FB6]  }
0x2e: {  	s3 =	simm.s32 @!p0 $0x1082;
	s9 =	sld [smem:$0x3FB7]  }
0x2f: {  	lr =	sadd.s32 s0, s3;
	s0 =	sld [smem:$0x3FAE]  }
0x30: {  	s3 =	sld [smem:$0x3FB1]  }
0x31: {  	[smem:$0x3FBA] =	sst s10  }
0x32: {  	s10 =	sld [smem:$0x3FB8];
	_ =	sdelay $0x3  }
0x33: {  	p0 =	seq.s32 s10, $0x1;
	s10 =	sld [smem:$0x3FBA];
	_ =	sdelay $0x3  }
0x34: {  	[smem:$0x3FBA] =	sst s10  }
0x35: {  	s10 =	sld [smem:$0x3FB9];
	_ =	sdelay $0x3  }
0x36: {  	p1 =	seq.s32 s10, $0x1;
	s10 =	sld [smem:$0x3FBA];
	_ =	sdelay $0x3  }
0x37: {  	[smem:$0x3FBA] =	sst s10  }
0x38: {  	s10 =	sld [smem:$0x3FBB]  }
0x39: {  	_ = 	snop;
	(pc) =	sbr.ind lr, $3  }
0x3a: {  	_ = 	snop  }
0x3b: {  	_ = 	snop  }
0x3c: {  	p2 =	seq.s32 s10, $0x1;
	s10 =	sld [smem:$0x3FBA]  }
0x3d: {  	_ =	shalt  }
0x3e: {  	_ =	shalt  }
0x3f: {  	_ =	shalt  }
0x40: {  	_ =	shalt  }
0x41: {  	_ =	shalt  }
0x42: {  	_ =	shalt  }
0x43: {  	_ =	shalt  }
0x44: {  	_ =	shalt  }
0x45: {  	_ =	shalt  }
0x46: {  	_ =	shalt  }
0x47: {  	_ =	shalt  }
0x48: {  	_ =	shalt  }
0x49: {  	_ =	shalt  }
0x4a: {  	_ =	shalt  }
0x4b: {  	_ =	shalt  }
0x4c: {  	_ =	shalt  }
0x4d: {  	_ =	shalt  }
0x4e: {  	_ =	shalt  }
0x4f: {  	_ =	shalt  }
0x50: {  	_ =	shalt  }
0x51: {  	_ =	shalt  }
0x52: {  	_ =	shalt  }
0x53: {  	_ =	shalt  }
0x54: {  	_ =	shalt  }
0x55: {  	_ =	shalt  }
0x56: {  	_ =	shalt  }
0x57: {  	_ =	shalt  }
0x58: {  	_ =	shalt  }
0x59: {  	_ =	shalt  }
0x5a: {  	_ =	shalt  }
0x5b: {  	_ =	shalt  }
0x5c: {  	_ =	shalt  }
0x5d: {  	_ =	shalt  }
0x5e: {  	_ =	shalt  }
0x5f: {  	_ =	shalt  }
0x60: {  	_ =	shalt  }
0x61: {  	_ =	shalt  }
0x62: {  	_ =	shalt  }
0x63: {  	_ =	shalt  }
0x64: {  	_ =	shalt  }
0x65: {  	_ =	shalt  }
0x66: {  	_ =	shalt  }
0x67: {  	_ =	shalt  }
0x68: {  	_ =	shalt  }
0x69: {  	_ =	shalt  }
0x6a: {  	_ =	shalt  }
0x6b: {  	_ =	shalt  }
0x6c: {  	_ =	shalt  }
0x6d: {  	_ =	shalt  }
0x6e: {  	_ =	shalt  }
0x6f: {  	_ =	shalt  }
0x70: {  	_ =	shalt  }
0x71: {  	_ =	shalt  }
0x72: {  	_ =	shalt  }
0x73: {  	_ =	shalt  }
0x74: {  	_ =	shalt  }
0x75: {  	_ =	shalt  }
0x76: {  	_ =	shalt  }
0x77: {  	_ =	shalt  }
0x78: {  	_ =	shalt  }
0x79: {  	_ =	shalt  }
0x7a: {  	_ =	shalt  }
0x7b: {  	_ =	shalt  }
0x7c: {  	_ =	shalt  }
0x7d: {  	_ =	shalt  }
0x7e: {  	_ =	shalt  }
0x7f: {  	_ =	shalt  }
0x80: {  	_ =	shalt  }
0x81: {  	_ =	shalt  }
0x82: {  	_ =	shalt  }
0x83: {  	_ =	shalt  }
0x84: {  	_ =	shalt  }
0x85: {  	_ =	shalt  }
0x86: {  	_ =	shalt  }
0x87: {  	_ =	shalt  }
.Lfunc_end0:
.L_simem_size_0:
called_computation_lowered:
.L_overlay_start_0:
0x88: {  	s2 =	sld [smem:$0x3FD9]  }
0x89: {  	s3 =	sld [smem:$0x3FFE];
	_ =	sdelay $0x1  }
0x8a: {  	s1 =	srdreg.scid  }
0x8b: {  	s0 =	sand.u32 $0x1, s1  }
0x8c: {  	s17 =	sshll.u32 s0, $0xA;
	s2 =	sadd.s32 s3, s2  }
0x8d: {  	s2 =	sadd.s32 s2, s17  }
0x8e: {  	[smem:$0x3FC6] =	sst s2  }
0x8f: {  	_ = 	snop  }
0x90: {  	s2 =	sld [smem:$0x3FC9]  }
0x91: {  	s18 =	sld [smem:$0x3FC8]  }
0x92: {  	s4 =	sld [smem:$0x3FD0];
	(tm) =	ssettm $0x1  }
0x93: {  	s5 =	sld [smem:$0x3FFB];
	_ =	sdelay $0x3  }
0x94: {  	_ =	strace s5  }
0x95: {  	s5 =	sld [smem:$0x3FFC];
	_ =	sdelay $0x3  }
0x96: {  	_ =	strace s5  }
0x97: {  	s5 =	sld [smem:$0x3FFD];
	_ =	sdelay $0x3  }
0x98: {  	_ =	strace s5  }
0x99: {  	_ =	strace $0x8FFFFFFF  }
0x9a: {  	s19 =	sld [smem:$0x3FDB];
	_ =	sdelay $0x1  }
0x9b: {  	s6 =	simm.s32 $_scs_section_size  }
0x9c: {  	s7 =	simm.s32 $_size__tile_overlayer_lowered;
	s8 =	simm.s32 $_tile_overlayer_lowered  }
0x9d: {  	s22 =	simm.s32 $0x1BFF;
	s21 =	sshll.u32 s8, $0x1;
	s5 =	sadd.s32 s6, s19  }
0x9e: {  	s9 =	simm.s32 $0x0;
	s20 =	sshll.u32 s7, $0x1;
	s7 =	sadd.s32 s21, s5  }
0x9f: {  	[timem:s9], [sflag:s22] =	dma.local [hbm:s7], s20  }
0xa0: {  	_ =	swait.ge [sflag:s22], s20  }
0xa1: {  	s6 =	ssub.s32 $0x0, s20;
	[sflag:s22] =	ssyncset.done $0x0  }
0xa2: {  	[sflag:s22] =	ssyncadd.s32 s6;
	_ =	sdelay $0x1  }
0xa3: {  	s23 =	simm.s32 $0x1B8B  }
0xa4: {  	_ =	swait.ge [sflag:s23], $0x1  }
0xa5: {  	[sflag:s23] =	ssyncset.done $0x0  }
0xa6: {  	s25 =	simm.s32 $0x1B8E;
	s24 =	sld [smem:$0x3FFE];
	[sflag:s23] =	ssyncadd.s32 $0xFFFFFFFF  }
0xa7: {  	s26 =	simm.s32 $execute0_lowered;
	[smem:$0x3FD2] =	sst s25  }
0xa8: {  	s7 =	sshll.u32 s26, $0x1;
	_ =	strace $0x80000046;
	[dreg:$0x1] =	wrdreg $0xFFFFFFFF  }
0xa9: {  	s28 =	simm.s32 $_size_execute0_lowered;
	s5 =	sadd.s32 s5, s7;
	[dreg:$0x0] =	wrdreg $0x0  }
0xaa: {  	s7 =	sshll.u32 s28, $0x1;
	[dreg:$0x2] =	wrdreg s5  }
0xab: {  	[dreg:$0x3] =	wrdreg s7  }
0xac: {  	[dreg:$0x4] =	wrdreg $0xC0  }
0xad: {  	_ =	task [dreg:s9], $0x5FFFF  }
0xae: {  	[dreg:$0x1] =	wrdreg $0xFFFFFFFF  }
0xaf: {  	[dreg:$0x0] =	wrdreg $0x60  }
0xb0: {  	[dreg:$0x2] =	wrdreg s2  }
0xb1: {  	[dreg:$0x3] =	wrdreg s18  }
0xb2: {  	[dreg:$0x4] =	wrdreg s24  }
0xb3: {  	[dreg:$0x5] =	wrdreg s4  }
0xb4: {  	[dreg:$0x6] =	wrdreg $0x1000  }
0xb5: {  	[dreg:$0x7] =	wrdreg $0x3800  }
0xb6: {  	[dreg:$0x8] =	wrdreg $0x9  }
0xb7: {  	_ =	task.clear_ibuf [dreg:s9], $0x9FFFF;
	_ =	strace $0x90000046  }
0xb8: {  	s29 =	simm.s32 $0x9;
	_ =	strace $0x80000048  }
0xb9: {  	_ =	swait.ge [sflag:s29], $0x1  }
0xba: {  	[sflag:s29] =	ssyncadd.s32 $0xFFFFFFFF  }
0xbb: {  	_ =	strace $0x90000048  }
0xbc: {  	_ =	sfence  }
0xbd: {  	s30 =	sld [smem:$0x0];
	_ =	sdelay $0x2  }
0xbe: {  	s31 =	sshll.u32 s1, $0xD;
	s1 =	sshrl.u32 s1, $0x2  }
0xbf: {  	s3 =	sand.u32 $0x4000, s31;
	s1 =	sadd.s32 s1, s30  }
0xc0: {  	s0 =	sor.u32 s3, s0;
	s1 =	sshll.u32 s1, $0x11  }
0xc1: {  	s0 =	sor.u32 s1, s0  }
0xc2: {  	s0 =	sadd.s32 $0x8F2B, s0  }
0xc3: {  	[sflag:s0] =	ssyncadd.remote.s32 $0x1  }
0xc4: {  	_ =	sfence.sel $0xFFFF  }
0xc5: {  	[dreg:$0x0] =	wrdreg $0xFFFFFFFF;
	(pc) =	sbr.abs _section_cstart, $3  }
0xc6: {  	[dreg:$0x1] =	wrdreg $0xFFFFFFFF  }
0xc7: {  	_ =	task.clear_ibuf [dreg:s9], $0x2FFFF;
	_ =	strace $0x9FFFFFFF  }
0xc8: {  	(tm) =	ssettm $0x7FFFFFFF  }
0xc9: {  	_ =	shalt  }
tec
execute0_lowered:
.L_overlay_start_1:
0x0: {  	(tag) =	ssettag $0x1  }
0x1: {  	s11 =	rddreg [dreg:$0x0]  }
0x2: {  	s10 =	rddreg [dreg:$0x1]  }
0x3: {  	s6 =	rddreg [dreg:$0x2]  }
0x4: {  	s7 =	rddreg [dreg:$0x3]  }
0x5: {  	s2 =	rddreg [dreg:$0x4]  }
0x6: {  	s3 =	rddreg [dreg:$0x5]  }
0x7: {  	s0 =	rddreg [dreg:$0x6];
	s5 =	srdreg.scid  }
0x8: {  	s1 =	stileid.u32;
	s4 =	simm.s32 $0x0;
	s17 =	simm.s32 $0x50  }
0x9: {  	s18 =	simm.s32 $0x20;
	s19 =	simm.s32 $0x10;
	s9 =	smul.u32 $0x280, s1  }
0xa: {  	s20 =	simm.s32 $0x0;
	s8 =	sand.u32 $0x1, s5;
	s13 =	smul.u32 $0x500, s1  }
0xb: {  	[smem:$0x7FF] =	sst s4;
	s5 =	sadd.s32 $0x400, s6;
	s28 =	smul.u32 $0x2710, s1  }
0xc: {  	s6 =	sadd.s32 $0x600, s6;
	s31 =	sshll.u32 s1, $0x6;
	s12 =	smul.u32 $0x5000, s8  }
0xd: {  	_ =	strace $0x80000047;
	s14 =	ssub.s32 $0x2, s8;
	s8 =	smul.u32 $0x27100, s8  }
0xe: {  	s15 =	sshrl.u32 s14, $0x1;
	s29 =	sadd.s32 s9, s2;
	s16 =	sadd.s32 s9, s3  }
0xf: {  	s12 =	sadd.s32 s13, s12;
	s14 =	ssub.s32 s14, s15;
	s30 =	sadd.s32 s28, s8  }
0x10: {  	s13 =	simm.s32 $0x1;
	s15 =	sshrl.u32 s29, $0x3;
	s12 =	sshrl.u32 s12, $0x3  }
0x11: {  	s16 =	sshrl.u32 s16, $0x3;
	s9 =	smax.u32 s14, $0x1;
	s7 =	sadd.s32 s7, s12  }
0x12: {  	s14 =	sor.u32 $0x1C01, s31;
	s12 =	sshrl.u32 s30, $0x3;
	s8 =	sadd.s32 $0x10, s7  }
0x13: {  	s10 =	sadd.s32 s12, s10;
	s11 =	sadd.s32 s12, s11;
	s12 =	simm.s32 $0x80  }
.LBB2_1:
0x14: {  	[tilespmem:s12], [sflag:$0x1] =	stream.linear.gather [hbm4b:s5+s4], $0x80, $0x38;
	[tilespmem:$0x600] =	vst v63  }
0x15: {  	_ =	swait.ge [sflag:s13], $0x80  }
0x16: {  	[sflag:s13] =	ssyncset.done $0x0  }
0x17: {  	[sflag:s13] =	ssyncadd.s32 $0xFFFFFF80  }
0x18: {  	[spmem:s15], [sflag:s14] =	dma.local [hbm:s6], $0x50  }
0x19: {  	_ =	swait.ge [sflag:s13], $0x50  }
0x1a: {  	[sflag:s13] =	ssyncset.done $0x0  }
0x1b: {  	[sflag:s13] =	ssyncadd.s32 $0xFFFFFFB0  }
0x1c: {  	[spmem:s16], [sflag:s14] =	dma.local [hbm:s6], $0x50  }
0x1d: {  	_ =	swait.ge [sflag:s13], $0x50  }
0x1e: {  	[sflag:s13] =	ssyncset.done $0x0  }
0x1f: {  	[sflag:s13] =	ssyncadd.s32 $0xFFFFFFB0  }
0x20: {  	s21 =	sadd.s32 $0x0, s11;
	[bflag:$0x0] =	sbarrier.arrive $0xFFFF  }
0x21: {  	[tilespmem:s4], [sflag:$0x1] =	stream.linear.gather [hbm4b:s21+s4], $0x50, $0x38;
	[tilespmem:$0x600] =	vst v63  }
0x22: {  	_ =	swait.ge [sflag:s13], $0x50  }
0x23: {  	[sflag:s13] =	ssyncset.done $0x0  }
0x24: {  	[sflag:s13] =	ssyncadd.s32 $0xFFFFFFB0  }
0x25: {  	[spmem:s2] =	stream.indirect.scatter.add.f32 [tilespmem:s12], [sflag:$0x1], $0x1, s4, s17, $0xb8;
	[tilespmem:$0x600] =	vst v63  }
0x26: {  	_ =	swait.ge [sflag:s13], $0x50  }
0x27: {  	[sflag:s13] =	ssyncset.done $0x0  }
0x28: {  	s31 =	sadd.s32 $0x0, s10;
	[sflag:s13] =	ssyncadd.s32 $0xFFFFFFB0  }
0x29: {  	[tilespmem:s4], [sflag:$0x1] =	stream.linear.gather [hbm4b:s31+s4], $0x50, $0x38;
	[tilespmem:$0x600] =	vst v63  }
0x2a: {  	_ =	swait.ge [sflag:s13], $0x50  }
0x2b: {  	[sflag:s13] =	ssyncset.done $0x0  }
0x2c: {  	[sflag:s13] =	ssyncadd.s32 $0xFFFFFFB0  }
0x2d: {  	[spmem:s3] =	stream.indirect.scatter.add.f32 [tilespmem:s12], [sflag:$0x1], $0x1, s4, s17, $0xb8;
	[tilespmem:$0x600] =	vst v63  }
0x2e: {  	_ =	swait.ge [sflag:s13], $0x50  }
0x2f: {  	s22 =	simm.s32 $0x14;
	s21 =	simm.s32 $0xA;
	[sflag:s13] =	ssyncset.done $0x0  }
.LBB2_2:
0x30: {  	s23 =	sadd.s32 s21, s11  }
0x31: {  	[sflag:s13] =	ssyncadd.s32 $0xFFFFFFB0;
	s24 =	smov.u32 s22;
	s25 =	sadd.s32 $0xA, s22  }
0x32: {  	[tilespmem:s4], [sflag:$0x1] =	stream.linear.gather [hbm4b:s23+s4], $0x50, $0x38;
	[tilespmem:$0x600] =	vst v63  }
0x33: {  	p0 =	sne.s32 s22, $0x4D8;
	_ =	swait.ge [sflag:s13], $0x50  }
0x34: {  	[sflag:s13] =	ssyncset.done $0x0  }
0x35: {  	[sflag:s13] =	ssyncadd.s32 $0xFFFFFFB0  }
0x36: {  	[spmem:s2] =	stream.indirect.scatter.add.f32 [tilespmem:s12], [sflag:$0x1], $0x1, s4, s17, $0xb8;
	[tilespmem:$0x600] =	vst v63  }
0x37: {  	_ =	swait.ge [sflag:s13], $0x50  }
0x38: {  	[sflag:s13] =	ssyncset.done $0x0  }
0x39: {  	s22 =	sadd.s32 s21, s10;
	s21 =	smov.u32 s24;
	[sflag:s13] =	ssyncadd.s32 $0xFFFFFFB0  }
0x3a: {  	[tilespmem:s4], [sflag:$0x1] =	stream.linear.gather [hbm4b:s22+s4], $0x50, $0x38;
	[tilespmem:$0x600] =	vst v63  }
0x3b: {  	_ =	swait.ge [sflag:s13], $0x50  }
.Ltmp0:
0x3c: {  	[sflag:s13] =	ssyncset.done $0x0;
	(pc) =	sbr.rel @p0 .LBB2_2-.Ltmp0, $4  }
0x3d: {  	[sflag:s13] =	ssyncadd.s32 $0xFFFFFFB0  }
0x3e: {  	[spmem:s3] =	stream.indirect.scatter.add.f32 [tilespmem:s12], [sflag:$0x1], $0x1, s4, s17, $0xb8;
	[tilespmem:$0x600] =	vst v63  }
0x3f: {  	_ =	swait.ge [sflag:s13], $0x50  }
0x40: {  	s22 =	smov.u32 s25;
	[sflag:s13] =	ssyncset.done $0x0  }
0x41: {  	s22 =	sadd.s32 s21, s11;
	[sflag:s13] =	ssyncadd.s32 $0xFFFFFFB0  }
0x42: {  	[tilespmem:s4], [sflag:$0x1] =	stream.linear.gather [hbm4b:s22+s4], $0x50, $0x38;
	[tilespmem:$0x600] =	vst v63  }
0x43: {  	_ =	swait.ge [sflag:s13], $0x50  }
0x44: {  	[sflag:s13] =	ssyncset.done $0x0  }
0x45: {  	[sflag:s13] =	ssyncadd.s32 $0xFFFFFFB0  }
0x46: {  	[spmem:s2] =	stream.indirect.scatter.add.f32 [tilespmem:s12], [sflag:$0x1], $0x1, s4, s17, $0xb8;
	[tilespmem:$0x600] =	vst v63  }
0x47: {  	_ =	swait.ge [sflag:s13], $0x50  }
0x48: {  	[sflag:s13] =	ssyncset.done $0x0  }
0x49: {  	s31 =	sadd.s32 s21, s10;
	[sflag:s13] =	ssyncadd.s32 $0xFFFFFFB0  }
0x4a: {  	[tilespmem:s4], [sflag:$0x1] =	stream.linear.gather [hbm4b:s31+s4], $0x50, $0x38;
	[tilespmem:$0x600] =	vst v63  }
0x4b: {  	_ =	swait.ge [sflag:s13], $0x50  }
0x4c: {  	[sflag:s13] =	ssyncset.done $0x0  }
0x4d: {  	[sflag:s13] =	ssyncadd.s32 $0xFFFFFFB0  }
0x4e: {  	[spmem:s3] =	stream.indirect.scatter.add.f32 [tilespmem:s12], [sflag:$0x1], $0x1, s4, s17, $0xb8;
	[tilespmem:$0x600] =	vst v63  }
0x4f: {  	_ =	swait.ge [sflag:s13], $0x50  }
0x50: {  	[sflag:s13] =	ssyncset.done $0x0  }
0x51: {  	[sflag:s13] =	ssyncadd.s32 $0xFFFFFFB0  }
0x52: {  	[bflag:$0x0] =	sbarrier.arrive $0xFFFF  }
0x53: {  	[hbm:s7@s18], [sflag:s14] =	dma.strided [spmem:s15@s19], $0x50, s13, $0x10   }
0x54: {  	s20 =	sadd.s32 $0x1, s20;
	_ =	swait.ge [sflag:s13], $0x50  }
0x55: {  	p0 =	sne.s32 s20, s9;
	[sflag:s13] =	ssyncset.done $0x0  }
.Ltmp1:
0x56: {  	[sflag:s13] =	ssyncadd.s32 $0xFFFFFFB0;
	(pc) =	sbr.rel @p0 .LBB2_1-.Ltmp1, $4  }
0x57: {  	[hbm:s8@s18], [sflag:s14] =	dma.strided [spmem:s16@s19], $0x50, s13, $0x10   }
0x58: {  	_ =	swait.ge [sflag:s13], $0x50  }
0x59: {  	[sflag:s13] =	ssyncset.done $0x0  }
0x5a: {  	[sflag:s13] =	ssyncadd.s32 $0xFFFFFFB0  }
0x5b: {  	_ =	sfence.sel $0x180000  }
0x5c: {  	[bflag:$0x0] =	sbarrier.arrive $0xFFFF  }
0x5d: {  	p0 =	sne.s32 s1, $0x0;
	_ =	strace $0x90000047  }
0x5e: {  	s0 =	sadd.s32 @!p0 $0x100000, s0;
	[bflag:$0x2] =	sbarrier.arrive $0xFFFF  }
0x5f: {  	[sflag:s0] =	ssyncadd.tile.s32 @!p0 $0x1;
	_ =	shalt  }
.Lfunc_end2:
_tile_overlayer_lowered:
.L_overlay_start_2:
0x60: {  	(tag) =	ssettag $0x2  }
0x61: {  	s0 =	rddreg [dreg:$0x0];
	s2 =	stileid.u32  }
0x62: {  	s1 =	rddreg [dreg:$0x1];
	p0 =	sne.s32 s2, $0x0  }
0x63: {  	s3 =	rddreg [dreg:$0x2];
	[bflag:$0x3] =	sbarrier.arrive $0xFFFF;
	s2 =	simm.s32 @!p0 $0x1C01  }
0x64: {  	[timem:s3], [sflag:s2] =	dma.local @!p0 [hbm:s0], s1  }
0x65: {  	s0 =	simm.s32 @!p0 $0x1  }
0x66: {  	_ =	swait.ge @!p0 [sflag:s0], s1  }
0x67: {  	s1 =	ssub.s32 @!p0 $0x0, s1;
	[sflag:s0] =	ssyncset.done @!p0 $0x0  }
0x68: {  	[sflag:s0] =	ssyncadd.s32 @!p0 s1  }
0x69: {  	[bflag:$0x3] =	sbarrier.arrive $0xFFFF  }
0x6a: {  	_ =	shalt  }

</sc_bundles>
